<compile_context>
chip_gen: v7x
topology: tpu7x:2x2x1
jax: 0.10.2.dev20260603
libtpu: 0.0.44.dev20260713+nightly
codegen_flags: <defaults>
</compile_context>

<pallas_src>
import jax
import jax.numpy as jnp
from jax import lax
from jax.experimental import pallas as pl
from jax.experimental.pallas import tpu as pltpu
from jax.experimental.pallas import tpu_sc as plsc

N_C = 100000
N_F = 10000
E = 600000
H = 128

NW = 32
CHUNK = 128
NCH = 150
IB = 15
NIB = NCH // IB
E_PAD = NW * NCH * CHUNK
N_FP = N_F + 8
N_CP = 100096
STRIPE = N_CP // 16
PW = 16


def _prep_body(xf, wf, bf, wl, wr, wo4, blfc, bo4, g_ref, b2_ref, c2_ref):
    f32 = jnp.float32
    a4 = jnp.dot(wl[...], wo4[...], preferred_element_type=f32)
    hf = jnp.maximum(xf[...] * wf[...] + bf[...], 0.0)
    ones_col = (lax.broadcasted_iota(jnp.int32, (N_F, PW), 1) == 2).astype(f32)
    g_ref[...] = jnp.dot(hf, a4, preferred_element_type=f32) + ones_col
    b2_ref[...] = jnp.dot(wr[...], wo4[...], preferred_element_type=f32)
    c2_ref[...] = jnp.dot(blfc[...], wo4[...], preferred_element_type=f32) + bo4[...]


def _prep(x_fund, W_lin_f, b_lin_f, W_l_fc, W_r_fc, W_out, b_l_fc, b_out):
    wo4 = jnp.pad(W_out, ((0, 0), (0, PW - 2)))
    bo4 = jnp.pad(b_out, (0, PW - 2)).reshape(1, PW)
    return pl.pallas_call(
        _prep_body,
        out_shape=[
            jax.ShapeDtypeStruct((N_F, PW), jnp.float32),
            jax.ShapeDtypeStruct((H, PW), jnp.float32),
            jax.ShapeDtypeStruct((1, PW), jnp.float32),
        ],
    )(x_fund, W_lin_f, b_lin_f.reshape(1, H), W_l_fc, W_r_fc, wo4,
      b_l_fc.reshape(1, H), bo4)


def _sc_body(g_hbm, src_hbm, dst_hbm, out_hbm,
             src_v, dst_v, rows_v, zbuf, acc, sem):
    c = lax.axis_index("c")
    s = lax.axis_index("s")
    wid = c * 16 + s

    zq = STRIPE // 16
    zv = jnp.zeros((PW,), jnp.float32)

    def zrow(i, carry):
        zbuf[i, :] = zv
        return carry

    lax.fori_loop(0, zq, zrow, 0)

    def zchunk(k, carry):
        pltpu.sync_copy(zbuf, acc.at[pl.ds(s * STRIPE + k * zq, zq)])
        return carry

    lax.fori_loop(0, 16, zchunk, 0)
    plsc.subcore_barrier()

    def outer(b, carry):
        pltpu.sync_copy(src_hbm.at[wid].at[pl.ds(b * IB, IB)], src_v)
        pltpu.sync_copy(dst_hbm.at[wid].at[pl.ds(b * IB, IB)], dst_v)

        def body(j, carry2):
            pltpu.async_copy(g_hbm.at[src_v.at[j]], rows_v, sem).wait()
            pltpu.sync_copy(rows_v, acc.at[dst_v.at[j]], add=True)
            return carry2

        lax.fori_loop(0, IB, body, 0)
        return carry

    lax.fori_loop(0, NIB, outer, 0)
    plsc.subcore_barrier()
    pltpu.sync_copy(acc.at[pl.ds(s * STRIPE, STRIPE)],
                    out_hbm.at[c].at[pl.ds(s * STRIPE, STRIPE)])


def _segment_accumulate(g4, src, dst):
    pad = E_PAD - E
    src3 = jnp.concatenate(
        [src, jnp.full((pad,), N_F, jnp.int32)]).reshape(NW, NCH, CHUNK)
    dst3 = jnp.concatenate(
        [dst, jnp.full((pad,), N_C, jnp.int32)]).reshape(NW, NCH, CHUNK)
    g4p = jnp.pad(g4, ((0, N_FP - N_F), (0, 0)))
    mesh = plsc.VectorSubcoreMesh(core_axis_name="c", subcore_axis_name="s",
                                  num_cores=2, num_subcores=16)
    run = pl.kernel(
        _sc_body,
        out_type=jax.ShapeDtypeStruct((2, N_CP, PW), jnp.float32),
        mesh=mesh,
        scratch_types=[
            pltpu.VMEM((IB, CHUNK), jnp.int32),
            pltpu.VMEM((IB, CHUNK), jnp.int32),
            pltpu.VMEM((CHUNK, PW), jnp.float32),
            pltpu.VMEM((STRIPE // 16, PW), jnp.float32),
            pltpu.VMEM_SHARED((N_CP, PW), jnp.float32),
            pltpu.SemaphoreType.DMA,
        ],
        compiler_params=pltpu.CompilerParams(use_tc_tiling_on_sc=False),
    )
    return run(g4p, src3, dst3)


def _main_body(x_ref, w_ref, b_ref, b2_ref, c2_ref, a_ref, o_ref):
    f32 = jnp.float32
    h = jnp.maximum(
        jnp.dot(x_ref[...], w_ref[...], preferred_element_type=f32) + b_ref[...],
        0.0)
    s = a_ref[0] + a_ref[1]
    cnt = jnp.maximum(s[:, 2:3], 1.0)
    res = s / cnt + jnp.dot(h, b2_ref[...], preferred_element_type=f32) + c2_ref[...]
    o_ref[...] = res[:, 0:2]


def _main(x_customer, W_lin_c, b_lin_c, b24, c24, acc):
    R = 2000
    grid = (N_C // R,)
    return pl.pallas_call(
        _main_body,
        grid=grid,
        in_specs=[
            pl.BlockSpec((R, 101), lambda i: (i, 0)),
            pl.BlockSpec((101, H), lambda i: (0, 0)),
            pl.BlockSpec((1, H), lambda i: (0, 0)),
            pl.BlockSpec((H, PW), lambda i: (0, 0)),
            pl.BlockSpec((1, PW), lambda i: (0, 0)),
            pl.BlockSpec((2, R, PW), lambda i: (0, i, 0)),
        ],
        out_specs=pl.BlockSpec((R, 2), lambda i: (i, 0)),
        out_shape=jax.ShapeDtypeStruct((N_C, 2), jnp.float32),
    )(x_customer, W_lin_c, b_lin_c.reshape(1, H), b24, c24, acc)


def kernel(x_customer, x_fund, W_lin_c, b_lin_c, W_lin_f, b_lin_f,
           W_l_cf, b_l_cf, W_r_cf, W_l_fc, b_l_fc, W_r_fc, W_out, b_out,
           edge_attr_cf, edge_attr_fc, edge_src_cf, edge_dst_cf,
           edge_src_fc, edge_dst_fc):
    g4, b24, c24 = _prep(x_fund, W_lin_f, b_lin_f, W_l_fc, W_r_fc, W_out,
                         b_l_fc, b_out)
    acc = _segment_accumulate(g4, edge_src_fc, edge_dst_fc)
    return _main(x_customer, W_lin_c, b_lin_c, b24, c24, acc)

# --- scband reference (transcript-rebuilt; emitter-appended) ---
"""Pipeline reference for scband-hgt-83056077570928 (READ-ONLY COPY).

The authoritative reference and input builder live on the scoring server;
editing this copy changes nothing except your own understanding.
"""

import jax, jax.numpy as jnp
import numpy as np

N_C = 100000
N_F = 10000
E = 600000
H = 128

def setup_inputs(seed: int = 0):
    key = jax.random.key(seed)
    ks = jax.random.split(key, 24)
    def lin(k, fin, fout):
        return jax.random.normal(k, (fin, fout), dtype=jnp.float32) / np.sqrt(fin)
    inp = {}
    inp["x_customer"] = jax.random.normal(ks[0], (N_C, 101), dtype=jnp.float32)
    inp["x_fund"] = jax.random.normal(ks[1], (N_F, 1), dtype=jnp.float32)
    inp["W_lin_c"] = lin(ks[2], 101, H)
    inp["b_lin_c"] = jnp.zeros((H,), dtype=jnp.float32)
    inp["W_lin_f"] = lin(ks[3], 1, H)
    inp["b_lin_f"] = jnp.zeros((H,), dtype=jnp.float32)
    inp["W_l_cf"] = lin(ks[4], H, H)
    inp["b_l_cf"] = jnp.zeros((H,), dtype=jnp.float32)
    inp["W_r_cf"] = lin(ks[5], H, H)
    inp["W_l_fc"] = lin(ks[6], H, H)
    inp["b_l_fc"] = jnp.zeros((H,), dtype=jnp.float32)
    inp["W_r_fc"] = lin(ks[7], H, H)
    inp["W_out"] = lin(ks[8], H, 2)
    inp["b_out"] = jnp.zeros((2,), dtype=jnp.float32)
    inp["edge_attr_cf"] = jax.random.normal(ks[9], (E, 5), dtype=jnp.float32)
    inp["edge_attr_fc"] = jax.random.normal(ks[10], (E, 5), dtype=jnp.float32)
    inp["edge_src_cf"] = jax.random.randint(ks[11], (E,), 0, N_C, dtype=jnp.int32)
    inp["edge_dst_cf"] = jax.random.randint(ks[12], (E,), 0, N_F, dtype=jnp.int32)
    inp["edge_src_fc"] = jax.random.randint(ks[13], (E,), 0, N_F, dtype=jnp.int32)
    inp["edge_dst_fc"] = jax.random.randint(ks[14], (E,), 0, N_C, dtype=jnp.int32)
    return inp

def _sage(x_src, x_dst, src, dst, W_l, b_l, W_r, n_dst):
    # PyG SAGEConv: lin_l(mean_{j in N(i)} x_j) + lin_r(x_i); lin_l has bias, lin_r does not
    msgs = x_src[src]
    s = jax.ops.segment_sum(msgs, dst, num_segments=n_dst)
    cnt = jax.ops.segment_sum(jnp.ones((src.shape[0],), dtype=x_src.dtype), dst, num_segments=n_dst)
    mean = s / jnp.clip(cnt, 1.0)[:, None]
    return mean @ W_l + b_l + x_dst @ W_r

def reference(x_customer, x_fund, W_lin_c, b_lin_c, W_lin_f, b_lin_f, W_l_cf, b_l_cf, W_r_cf, W_l_fc, b_l_fc, W_r_fc, W_out, b_out, edge_attr_cf, edge_attr_fc, edge_src_cf, edge_dst_cf, edge_src_fc, edge_dst_fc):
    # per-node-type input projection + relu
    h_c = jax.nn.relu(x_customer @ W_lin_c + b_lin_c)
    h_f = jax.nn.relu(x_fund @ W_lin_f + b_lin_f)
    # HeteroConv with aggr='sum'; each dst type receives exactly one edge type.
    # SAGEConv ignores edge_attr (its forward has no edge_attr arg), matching PyG HeteroConv arg filtering.
    out_f = _sage(h_c, h_f, edge_src_cf, edge_dst_cf, W_l_cf, b_l_cf, W_r_cf, N_F)
    out_c = _sage(h_f, h_c, edge_src_fc, edge_dst_fc, W_l_fc, b_l_fc, W_r_fc, N_C)
    return out_c @ W_out + b_out

if __name__ == "__main__":
    import jax
    _d = setup_inputs()
    print(jax.jit(kernel)(*tuple(_d.values())))

</pallas_src>

<mosaic_0001>
#map = affine_map<(d0, d1) -> (0, 0)>
#map1 = affine_map<(d0, d1) -> (0, 0, 0)>
module attributes {stable_mosaic.version = 14 : i64} {
  func.func @_sc_body(%arg0: i32, %arg1: i32, %arg2: memref<10008x16xf32, #tpu.memory_space<hbm>>, %arg3: memref<32x150x128xi32, #tpu.memory_space<hbm>>, %arg4: memref<32x150x128xi32, #tpu.memory_space<hbm>>, %arg5: memref<2x100096x16xf32, #tpu.memory_space<hbm>>, %arg6: memref<15x128xi32, #tpu.memory_space<vmem>>, %arg7: memref<15x128xi32, #tpu.memory_space<vmem>>, %arg8: memref<128x16xf32, #tpu.memory_space<vmem>>, %arg9: memref<391x16xf32, #tpu.memory_space<vmem>>, %arg10: memref<100096x16xf32, #tpu.memory_space<vmem_shared>>, %arg11: memref<!tpu.dma_semaphore, #tpu.memory_space<semaphore_mem>>) attributes {dimension_semantics = [#tpu.dimension_semantics<core_parallel>, #tpu.dimension_semantics<subcore_parallel>], iteration_bounds = array<i64: 2, 16>, scalar_prefetch = 0 : i64, scratch_operands = 6 : i64, tpu.core_type = #tpu.core_type<sc_vector_subcore>, window_params = [{transform_indices = #map}, {transform_indices = #map1}, {transform_indices = #map1}, {transform_indices = #map1}]} {
    %mul3A = arith.constant 16 : i32
    %mul3A_0 = arith.muli %arg0, %mul3A : i32
    %add3A = arith.addi %mul3A_0, %arg1 : i32
    %broadcast_in_dim3A = arith.constant 0.000000e+00 : f32
    %broadcast_in_dim3A_1 = vector.broadcast %broadcast_in_dim3A : f32 to vector<16xf32>
    %scan3A = arith.constant 0 : i32
    %scan3A_2 = arith.constant 0 : i32
    %scan3A_3 = arith.constant 391 : i32
    %scan3A_4 = arith.addi %scan3A_2, %scan3A_3 : i32
    %scan3A_5 = arith.constant 1 : i32
    scf.for %scan3A_24 = %scan3A_2 to %scan3A_4 step %scan3A_5  : i32 {
      %swap3A = arith.index_cast %scan3A_24 : i32 to index
      %swap3A_25 = arith.constant 0 : index
      %swap3A_26 = tpu.vector_load %arg9[%swap3A, %swap3A_25] {strides = array<i32>} : memref<391x16xf32, #tpu.memory_space<vmem>>, vector<1x16xf32>,
      %swap3A_27 = vector.shape_cast %swap3A_26 : vector<1x16xf32> to vector<16xf32>
      %swap3A_28 = vector.shape_cast %broadcast_in_dim3A_1 : vector<16xf32> to vector<1x16xf32>
      tpu.vector_store %arg9[%swap3A, %swap3A_25], %swap3A_28 {strides = array<i32>} : memref<391x16xf32, #tpu.memory_space<vmem>>, vector<1x16xf32>,
    }
    %scan3A_6 = arith.constant 391 : i32
    %scan3A_7 = arith.constant 0 : i32
    %scan3A_8 = arith.constant 0 : i32
    %scan3A_9 = arith.constant 16 : i32
    %scan3A_10 = arith.addi %scan3A_8, %scan3A_9 : i32
    %scan3A_11 = arith.constant 1 : i32
    scf.for %scan3A_24 = %scan3A_8 to %scan3A_10 step %scan3A_11  : i32 {
      %mul3A_25 = arith.constant 6256 : i32
      %mul3A_26 = arith.muli %arg1, %mul3A_25 : i32
      %mul3A_27 = arith.constant 391 : i32
      %mul3A_28 = arith.muli %scan3A_24, %mul3A_27 : i32
      %add3A_29 = arith.addi %mul3A_26, %mul3A_28 : i32
      "tpu.region"() ({
        %run_scoped3A = tpu.sem_alloc : memref<!tpu.dma_semaphore, #tpu.memory_space<semaphore_mem>>
        %dma_start3A = arith.constant 0 : i32
        %dma_start3A_30 = tpu.memref_slice %arg10[%add3A_29, %dma_start3A] : memref<100096x16xf32, #tpu.memory_space<vmem_shared>> -> memref<391x16xf32, #tpu.memory_space<vmem_shared>>
        %dma_start3A_31 = arith.constant 0 : i32
        %dma_start3A_32 = tpu.memref_slice %arg10[%add3A_29, %dma_start3A_31] : memref<100096x16xf32, #tpu.memory_space<vmem_shared>> -> memref<391x16xf32, #tpu.memory_space<vmem_shared>>
        tpu.enqueue_dma source(%arg9 : memref<391x16xf32, #tpu.memory_space<vmem>>) target(%dma_start3A_32 : memref<391x16xf32, #tpu.memory_space<vmem_shared>>) target_semaphore(%run_scoped3A : memref<!tpu.dma_semaphore, #tpu.memory_space<semaphore_mem>>)
        %dma_wait3A = arith.constant 0 : i32
        %dma_wait3A_33 = tpu.memref_slice %arg10[%add3A_29, %dma_wait3A] : memref<100096x16xf32, #tpu.memory_space<vmem_shared>> -> memref<391x16xf32, #tpu.memory_space<vmem_shared>>
        %dma_wait3A_34 = arith.constant 0 : i32
        %dma_wait3A_35 = tpu.memref_slice %arg10[%add3A_29, %dma_wait3A_34] : memref<100096x16xf32, #tpu.memory_space<vmem_shared>> -> memref<391x16xf32, #tpu.memory_space<vmem_shared>>
        tpu.wait_dma2 semaphore(%run_scoped3A : memref<!tpu.dma_semaphore, #tpu.memory_space<semaphore_mem>>) src(%arg9 : memref<391x16xf32, #tpu.memory_space<vmem>>) dst(%dma_wait3A_35 : memref<391x16xf32, #tpu.memory_space<vmem_shared>>)
        tpu.yield
      }) : () -> ()
    }
    %scan3A_12 = arith.constant 16 : i32
    %barrier3A = arith.constant 0 : index
    tpu.barrier barrier_id(%barrier3A)
    %scan3A_13 = arith.constant 0 : i32
    %scan3A_14 = arith.constant 0 : i32
    %scan3A_15 = arith.constant 10 : i32
    %scan3A_16 = arith.addi %scan3A_14, %scan3A_15 : i32
    %scan3A_17 = arith.constant 1 : i32
    scf.for %scan3A_24 = %scan3A_14 to %scan3A_16 step %scan3A_17  : i32 {
      %mul3A_25 = arith.constant 15 : i32
      %mul3A_26 = arith.muli %scan3A_24, %mul3A_25 : i32
      "tpu.region"() ({
        %run_scoped3A = tpu.sem_alloc : memref<!tpu.dma_semaphore, #tpu.memory_space<semaphore_mem>>
        %dma_start3A = arith.constant 0 : i32
        %dma_start3A_35 = arith.constant 0 : i32
        %dma_start3A_36 = tpu.memref_slice %arg3[%add3A, %dma_start3A, %dma_start3A_35] : memref<32x150x128xi32, #tpu.memory_space<hbm>> -> memref<1x150x128xi32, #tpu.memory_space<hbm>>
        %dma_start3A_37 = tpu.memref_squeeze %dma_start3A_36 : memref<1x150x128xi32, #tpu.memory_space<hbm>> -> memref<150x128xi32, #tpu.memory_space<hbm>>
        %dma_start3A_38 = arith.constant 0 : i32
        %dma_start3A_39 = tpu.memref_slice %dma_start3A_37[%mul3A_26, %dma_start3A_38] : memref<150x128xi32, #tpu.memory_space<hbm>> -> memref<15x128xi32, #tpu.memory_space<hbm>>
        %dma_start3A_40 = arith.constant 0 : i32
        %dma_start3A_41 = arith.constant 0 : i32
        %dma_start3A_42 = tpu.memref_slice %arg3[%add3A, %dma_start3A_40, %dma_start3A_41] : memref<32x150x128xi32, #tpu.memory_space<hbm>> -> memref<1x150x128xi32, #tpu.memory_space<hbm>>
        %dma_start3A_43 = tpu.memref_squeeze %dma_start3A_42 : memref<1x150x128xi32, #tpu.memory_space<hbm>> -> memref<150x128xi32, #tpu.memory_space<hbm>>
        %dma_start3A_44 = arith.constant 0 : i32
        %dma_start3A_45 = tpu.memref_slice %dma_start3A_43[%mul3A_26, %dma_start3A_44] : memref<150x128xi32, #tpu.memory_space<hbm>> -> memref<15x128xi32, #tpu.memory_space<hbm>>
        tpu.enqueue_dma source(%dma_start3A_45 : memref<15x128xi32, #tpu.memory_space<hbm>>) target(%arg6 : memref<15x128xi32, #tpu.memory_space<vmem>>) target_semaphore(%run_scoped3A : memref<!tpu.dma_semaphore, #tpu.memory_space<semaphore_mem>>)
        %dma_wait3A = arith.constant 0 : i32
        %dma_wait3A_46 = arith.constant 0 : i32
        %dma_wait3A_47 = tpu.memref_slice %arg3[%add3A, %dma_wait3A, %dma_wait3A_46] : memref<32x150x128xi32, #tpu.memory_space<hbm>> -> memref<1x150x128xi32, #tpu.memory_space<hbm>>
        %dma_wait3A_48 = tpu.memref_squeeze %dma_wait3A_47 : memref<1x150x128xi32, #tpu.memory_space<hbm>> -> memref<150x128xi32, #tpu.memory_space<hbm>>
        %dma_wait3A_49 = arith.constant 0 : i32
        %dma_wait3A_50 = tpu.memref_slice %dma_wait3A_48[%mul3A_26, %dma_wait3A_49] : memref<150x128xi32, #tpu.memory_space<hbm>> -> memref<15x128xi32, #tpu.memory_space<hbm>>
        %dma_wait3A_51 = arith.constant 0 : i32
        %dma_wait3A_52 = arith.constant 0 : i32
        %dma_wait3A_53 = tpu.memref_slice %arg3[%add3A, %dma_wait3A_51, %dma_wait3A_52] : memref<32x150x128xi32, #tpu.memory_space<hbm>> -> memref<1x150x128xi32, #tpu.memory_space<hbm>>
        %dma_wait3A_54 = tpu.memref_squeeze %dma_wait3A_53 : memref<1x150x128xi32, #tpu.memory_space<hbm>> -> memref<150x128xi32, #tpu.memory_space<hbm>>
        %dma_wait3A_55 = arith.constant 0 : i32
        %dma_wait3A_56 = tpu.memref_slice %dma_wait3A_54[%mul3A_26, %dma_wait3A_55] : memref<150x128xi32, #tpu.memory_space<hbm>> -> memref<15x128xi32, #tpu.memory_space<hbm>>
        tpu.wait_dma2 semaphore(%run_scoped3A : memref<!tpu.dma_semaphore, #tpu.memory_space<semaphore_mem>>) src(%dma_wait3A_56 : memref<15x128xi32, #tpu.memory_space<hbm>>) dst(%arg6 : memref<15x128xi32, #tpu.memory_space<vmem>>)
        tpu.yield
      }) : () -> ()
      %mul3A_27 = arith.constant 15 : i32
      %mul3A_28 = arith.muli %scan3A_24, %mul3A_27 : i32
      "tpu.region"() ({
        %run_scoped3A = tpu.sem_alloc : memref<!tpu.dma_semaphore, #tpu.memory_space<semaphore_mem>>
        %dma_start3A = arith.constant 0 : i32
        %dma_start3A_35 = arith.constant 0 : i32
        %dma_start3A_36 = tpu.memref_slice %arg4[%add3A, %dma_start3A, %dma_start3A_35] : memref<32x150x128xi32, #tpu.memory_space<hbm>> -> memref<1x150x128xi32, #tpu.memory_space<hbm>>
        %dma_start3A_37 = tpu.memref_squeeze %dma_start3A_36 : memref<1x150x128xi32, #tpu.memory_space<hbm>> -> memref<150x128xi32, #tpu.memory_space<hbm>>
        %dma_start3A_38 = arith.constant 0 : i32
        %dma_start3A_39 = tpu.memref_slice %dma_start3A_37[%mul3A_28, %dma_start3A_38] : memref<150x128xi32, #tpu.memory_space<hbm>> -> memref<15x128xi32, #tpu.memory_space<hbm>>
        %dma_start3A_40 = arith.constant 0 : i32
        %dma_start3A_41 = arith.constant 0 : i32
        %dma_start3A_42 = tpu.memref_slice %arg4[%add3A, %dma_start3A_40, %dma_start3A_41] : memref<32x150x128xi32, #tpu.memory_space<hbm>> -> memref<1x150x128xi32, #tpu.memory_space<hbm>>
        %dma_start3A_43 = tpu.memref_squeeze %dma_start3A_42 : memref<1x150x128xi32, #tpu.memory_space<hbm>> -> memref<150x128xi32, #tpu.memory_space<hbm>>
        %dma_start3A_44 = arith.constant 0 : i32
        %dma_start3A_45 = tpu.memref_slice %dma_start3A_43[%mul3A_28, %dma_start3A_44] : memref<150x128xi32, #tpu.memory_space<hbm>> -> memref<15x128xi32, #tpu.memory_space<hbm>>
        tpu.enqueue_dma source(%dma_start3A_45 : memref<15x128xi32, #tpu.memory_space<hbm>>) target(%arg7 : memref<15x128xi32, #tpu.memory_space<vmem>>) target_semaphore(%run_scoped3A : memref<!tpu.dma_semaphore, #tpu.memory_space<semaphore_mem>>)
        %dma_wait3A = arith.constant 0 : i32
        %dma_wait3A_46 = arith.constant 0 : i32
        %dma_wait3A_47 = tpu.memref_slice %arg4[%add3A, %dma_wait3A, %dma_wait3A_46] : memref<32x150x128xi32, #tpu.memory_space<hbm>> -> memref<1x150x128xi32, #tpu.memory_space<hbm>>
        %dma_wait3A_48 = tpu.memref_squeeze %dma_wait3A_47 : memref<1x150x128xi32, #tpu.memory_space<hbm>> -> memref<150x128xi32, #tpu.memory_space<hbm>>
        %dma_wait3A_49 = arith.constant 0 : i32
        %dma_wait3A_50 = tpu.memref_slice %dma_wait3A_48[%mul3A_28, %dma_wait3A_49] : memref<150x128xi32, #tpu.memory_space<hbm>> -> memref<15x128xi32, #tpu.memory_space<hbm>>
        %dma_wait3A_51 = arith.constant 0 : i32
        %dma_wait3A_52 = arith.constant 0 : i32
        %dma_wait3A_53 = tpu.memref_slice %arg4[%add3A, %dma_wait3A_51, %dma_wait3A_52] : memref<32x150x128xi32, #tpu.memory_space<hbm>> -> memref<1x150x128xi32, #tpu.memory_space<hbm>>
        %dma_wait3A_54 = tpu.memref_squeeze %dma_wait3A_53 : memref<1x150x128xi32, #tpu.memory_space<hbm>> -> memref<150x128xi32, #tpu.memory_space<hbm>>
        %dma_wait3A_55 = arith.constant 0 : i32
        %dma_wait3A_56 = tpu.memref_slice %dma_wait3A_54[%mul3A_28, %dma_wait3A_55] : memref<150x128xi32, #tpu.memory_space<hbm>> -> memref<15x128xi32, #tpu.memory_space<hbm>>
        tpu.wait_dma2 semaphore(%run_scoped3A : memref<!tpu.dma_semaphore, #tpu.memory_space<semaphore_mem>>) src(%dma_wait3A_56 : memref<15x128xi32, #tpu.memory_space<hbm>>) dst(%arg7 : memref<15x128xi32, #tpu.memory_space<vmem>>)
        tpu.yield
      }) : () -> ()
      %scan3A_29 = arith.constant 0 : i32
      %scan3A_30 = arith.constant 0 : i32
      %scan3A_31 = arith.constant 15 : i32
      %scan3A_32 = arith.addi %scan3A_30, %scan3A_31 : i32
      %scan3A_33 = arith.constant 1 : i32
      scf.for %scan3A_35 = %scan3A_30 to %scan3A_32 step %scan3A_33  : i32 {
        %dma_start3A = arith.constant 0 : i32
        %dma_start3A_36 = tpu.memref_slice %arg6[%scan3A_35, %dma_start3A] : memref<15x128xi32, #tpu.memory_space<vmem>> -> memref<1x128xi32, #tpu.memory_space<vmem>>
        %dma_start3A_37 = tpu.memref_squeeze %dma_start3A_36 : memref<1x128xi32, #tpu.memory_space<vmem>> -> memref<128xi32, #tpu.memory_space<vmem>>
        %dma_start3A_38 = arith.constant 0 : i32
        %dma_start3A_39 = arith.constant 0 : i32
        %dma_start3A_40 = tpu.memref_slice %arg2[%dma_start3A_38, %dma_start3A_39] : memref<10008x16xf32, #tpu.memory_space<hbm>> -> memref<10008x16xf32, #tpu.memory_space<hbm>>
        tpu.enqueue_indirect_dma source(%dma_start3A_40 : memref<10008x16xf32, #tpu.memory_space<hbm>>) target(%arg8 : memref<128x16xf32, #tpu.memory_space<vmem>>) offsets(%dma_start3A_37 : memref<128xi32, #tpu.memory_space<vmem>>) semaphore(%arg11 : memref<!tpu.dma_semaphore, #tpu.memory_space<semaphore_mem>>)
        %dma_wait3A = arith.constant 0 : i32
        %dma_wait3A_41 = tpu.memref_slice %arg6[%scan3A_35, %dma_wait3A] : memref<15x128xi32, #tpu.memory_space<vmem>> -> memref<1x128xi32, #tpu.memory_space<vmem>>
        %dma_wait3A_42 = tpu.memref_squeeze %dma_wait3A_41 : memref<1x128xi32, #tpu.memory_space<vmem>> -> memref<128xi32, #tpu.memory_space<vmem>>
        %dma_wait3A_43 = arith.constant 0 : i32
        %dma_wait3A_44 = arith.constant 0 : i32
        %dma_wait3A_45 = tpu.memref_slice %arg2[%dma_wait3A_43, %dma_wait3A_44] : memref<10008x16xf32, #tpu.memory_space<hbm>> -> memref<10008x16xf32, #tpu.memory_space<hbm>>
        tpu.wait_indirect_dma semaphore(%arg11 : memref<!tpu.dma_semaphore, #tpu.memory_space<semaphore_mem>>) src(%dma_wait3A_45 : memref<10008x16xf32, #tpu.memory_space<hbm>>) dst(%arg8 : memref<128x16xf32, #tpu.memory_space<vmem>>)
        "tpu.region"() ({
          %run_scoped3A = tpu.sem_alloc : memref<!tpu.dma_semaphore, #tpu.memory_space<semaphore_mem>>
          %dma_start3A_46 = arith.constant 0 : i32
          %dma_start3A_47 = tpu.memref_slice %arg7[%scan3A_35, %dma_start3A_46] : memref<15x128xi32, #tpu.memory_space<vmem>> -> memref<1x128xi32, #tpu.memory_space<vmem>>
          %dma_start3A_48 = tpu.memref_squeeze %dma_start3A_47 : memref<1x128xi32, #tpu.memory_space<vmem>> -> memref<128xi32, #tpu.memory_space<vmem>>
          %dma_start3A_49 = arith.constant 0 : i32
          %dma_start3A_50 = arith.constant 0 : i32
          %dma_start3A_51 = tpu.memref_slice %arg10[%dma_start3A_49, %dma_start3A_50] : memref<100096x16xf32, #tpu.memory_space<vmem_shared>> -> memref<100096x16xf32, #tpu.memory_space<vmem_shared>>
          tpu.enqueue_indirect_dma source(%arg8 : memref<128x16xf32, #tpu.memory_space<vmem>>) target(%dma_start3A_51 : memref<100096x16xf32, #tpu.memory_space<vmem_shared>>) offsets(%dma_start3A_48 : memref<128xi32, #tpu.memory_space<vmem>>) semaphore(%run_scoped3A : memref<!tpu.dma_semaphore, #tpu.memory_space<semaphore_mem>>) {add = true}
          %dma_wait3A_52 = arith.constant 0 : i32
          %dma_wait3A_53 = tpu.memref_slice %arg7[%scan3A_35, %dma_wait3A_52] : memref<15x128xi32, #tpu.memory_space<vmem>> -> memref<1x128xi32, #tpu.memory_space<vmem>>
          %dma_wait3A_54 = tpu.memref_squeeze %dma_wait3A_53 : memref<1x128xi32, #tpu.memory_space<vmem>> -> memref<128xi32, #tpu.memory_space<vmem>>
          %dma_wait3A_55 = arith.constant 0 : i32
          %dma_wait3A_56 = arith.constant 0 : i32
          %dma_wait3A_57 = tpu.memref_slice %arg10[%dma_wait3A_55, %dma_wait3A_56] : memref<100096x16xf32, #tpu.memory_space<vmem_shared>> -> memref<100096x16xf32, #tpu.memory_space<vmem_shared>>
          tpu.wait_indirect_dma semaphore(%run_scoped3A : memref<!tpu.dma_semaphore, #tpu.memory_space<semaphore_mem>>) src(%arg8 : memref<128x16xf32, #tpu.memory_space<vmem>>) dst(%dma_wait3A_57 : memref<100096x16xf32, #tpu.memory_space<vmem_shared>>)
          tpu.yield
        }) : () -> ()
      }
      %scan3A_34 = arith.constant 15 : i32
    }
    %scan3A_18 = arith.constant 10 : i32
    %barrier3A_19 = arith.constant 0 : index
    tpu.barrier barrier_id(%barrier3A_19)
    %mul3A_20 = arith.constant 6256 : i32
    %mul3A_21 = arith.muli %arg1, %mul3A_20 : i32
    %mul3A_22 = arith.constant 6256 : i32
    %mul3A_23 = arith.muli %arg1, %mul3A_22 : i32
    "tpu.region"() ({
      %run_scoped3A = tpu.sem_alloc : memref<!tpu.dma_semaphore, #tpu.memory_space<semaphore_mem>>
      %dma_start3A = arith.constant 0 : i32
      %dma_start3A_24 = arith.constant 0 : i32
      %dma_start3A_25 = tpu.memref_slice %arg5[%arg0, %dma_start3A, %dma_start3A_24] : memref<2x100096x16xf32, #tpu.memory_space<hbm>> -> memref<1x100096x16xf32, #tpu.memory_space<hbm>>
      %dma_start3A_26 = tpu.memref_squeeze %dma_start3A_25 : memref<1x100096x16xf32, #tpu.memory_space<hbm>> -> memref<100096x16xf32, #tpu.memory_space<hbm>>
      %dma_start3A_27 = arith.constant 0 : i32
      %dma_start3A_28 = tpu.memref_slice %dma_start3A_26[%mul3A_23, %dma_start3A_27] : memref<100096x16xf32, #tpu.memory_space<hbm>> -> memref<6256x16xf32, #tpu.memory_space<hbm>>
      %dma_start3A_29 = arith.constant 0 : i32
      %dma_start3A_30 = tpu.memref_slice %arg10[%mul3A_21, %dma_start3A_29] : memref<100096x16xf32, #tpu.memory_space<vmem_shared>> -> memref<6256x16xf32, #tpu.memory_space<vmem_shared>>
      tpu.enqueue_dma source(%dma_start3A_30 : memref<6256x16xf32, #tpu.memory_space<vmem_shared>>) target(%dma_start3A_28 : memref<6256x16xf32, #tpu.memory_space<hbm>>) target_semaphore(%run_scoped3A : memref<!tpu.dma_semaphore, #tpu.memory_space<semaphore_mem>>)
      %dma_wait3A = arith.constant 0 : i32
      %dma_wait3A_31 = arith.constant 0 : i32
      %dma_wait3A_32 = tpu.memref_slice %arg5[%arg0, %dma_wait3A, %dma_wait3A_31] : memref<2x100096x16xf32, #tpu.memory_space<hbm>> -> memref<1x100096x16xf32, #tpu.memory_space<hbm>>
      %dma_wait3A_33 = tpu.memref_squeeze %dma_wait3A_32 : memref<1x100096x16xf32, #tpu.memory_space<hbm>> -> memref<100096x16xf32, #tpu.memory_space<hbm>>
      %dma_wait3A_34 = arith.constant 0 : i32
      %dma_wait3A_35 = tpu.memref_slice %dma_wait3A_33[%mul3A_23, %dma_wait3A_34] : memref<100096x16xf32, #tpu.memory_space<hbm>> -> memref<6256x16xf32, #tpu.memory_space<hbm>>
      %dma_wait3A_36 = arith.constant 0 : i32
      %dma_wait3A_37 = tpu.memref_slice %arg10[%mul3A_21, %dma_wait3A_36] : memref<100096x16xf32, #tpu.memory_space<vmem_shared>> -> memref<6256x16xf32, #tpu.memory_space<vmem_shared>>
      tpu.wait_dma2 semaphore(%run_scoped3A : memref<!tpu.dma_semaphore, #tpu.memory_space<semaphore_mem>>) src(%dma_wait3A_37 : memref<6256x16xf32, #tpu.memory_space<vmem_shared>>) dst(%dma_wait3A_35 : memref<6256x16xf32, #tpu.memory_space<hbm>>)
      tpu.yield
    }) : () -> ()
    return
  }
}

module attributes {stable_mosaic.version = 14 : i64} {
  func.func @_prep_body(%arg0: memref<10000x1xf32, #tpu.memory_space<vmem>>, %arg1: memref<1x128xf32, #tpu.memory_space<vmem>>, %arg2: memref<1x128xf32, #tpu.memory_space<vmem>>, %arg3: memref<128x128xf32, #tpu.memory_space<vmem>>, %arg4: memref<128x128xf32, #tpu.memory_space<vmem>>, %arg5: memref<128x16xf32, #tpu.memory_space<vmem>>, %arg6: memref<1x128xf32, #tpu.memory_space<vmem>>, %arg7: memref<1x16xf32, #tpu.memory_space<vmem>>, %arg8: memref<10000x16xf32, #tpu.memory_space<vmem>>, %arg9: memref<128x16xf32, #tpu.memory_space<vmem>>, %arg10: memref<1x16xf32, #tpu.memory_space<vmem>>) attributes {dimension_semantics = [], scalar_prefetch = 0 : i64, scratch_operands = 0 : i64, tpu.core_type = #tpu.core_type<tc>} {
    %get3A = arith.constant 0 : index
    %get3A_0 = arith.constant 0 : index
    %get3A_1 = vector.load %arg3[%get3A, %get3A_0] : memref<128x128xf32, #tpu.memory_space<vmem>>, vector<128x128xf32>
    %get3A_2 = arith.constant 0 : index
    %get3A_3 = arith.constant 0 : index
    %get3A_4 = vector.load %arg5[%get3A_2, %get3A_3] : memref<128x16xf32, #tpu.memory_space<vmem>>, vector<128x16xf32>
    %dot_general3A = arith.constant dense<0.000000e+00> : vector<128x16xf32>
    %dot_general3A_5 = tpu.matmul %get3A_1, %get3A_4, %dot_general3A {dimension_numbers = #tpu.dot_dimension_numbers<[1], [0], [0], [1], [0, 0, 1, 1], [], []>, transpose_lhs_hint = false} : vector<128x128xf32>, vector<128x16xf32>, vector<128x16xf32> -> vector<128x16xf32>
    %get3A_6 = arith.constant 0 : index
    %get3A_7 = arith.constant 0 : index
    %get3A_8 = vector.load %arg0[%get3A_6, %get3A_7] : memref<10000x1xf32, #tpu.memory_space<vmem>>, vector<10000x1xf32>
    %get3A_9 = arith.constant 0 : index
    %get3A_10 = arith.constant 0 : index
    %get3A_11 = vector.load %arg1[%get3A_9, %get3A_10] : memref<1x128xf32, #tpu.memory_space<vmem>>, vector<1x128xf32>
    %mul3A = vector.broadcast %get3A_8 : vector<10000x1xf32> to vector<10000x128xf32>
    %mul3A_12 = vector.broadcast %get3A_11 : vector<1x128xf32> to vector<10000x128xf32>
    %mul3A_13 = arith.mulf %mul3A, %mul3A_12 : vector<10000x128xf32>
    %get3A_14 = arith.constant 0 : index
    %get3A_15 = arith.constant 0 : index
    %get3A_16 = vector.load %arg2[%get3A_14, %get3A_15] : memref<1x128xf32, #tpu.memory_space<vmem>>, vector<1x128xf32>
    %add3A = vector.broadcast %get3A_16 : vector<1x128xf32> to vector<10000x128xf32>
    %add3A_17 = arith.addf %mul3A_13, %add3A : vector<10000x128xf32>
    %max3A = arith.constant 0.000000e+00 : f32
    %max3A_18 = vector.broadcast %max3A : f32 to vector<10000x128xf32>
    %max3A_19 = arith.maximumf %add3A_17, %max3A_18 : vector<10000x128xf32>
    %iota3A = tpu.iota {dimensions = array<i32: 1>} : vector<10000x16xi32>
    %eq3A = arith.constant 2 : i32
    %eq3A_20 = vector.broadcast %eq3A : i32 to vector<10000x16xi32>
    %eq3A_21 = arith.cmpi eq, %iota3A, %eq3A_20 : vector<10000x16xi32>
    %convert_element_type3A = arith.extui %eq3A_21 : vector<10000x16xi1> to vector<10000x16xi32>
    %convert_element_type3A_22 = arith.sitofp %convert_element_type3A : vector<10000x16xi32> to vector<10000x16xf32>
    %dot_general3A_23 = arith.constant dense<0.000000e+00> : vector<10000x16xf32>
    %dot_general3A_24 = tpu.matmul %max3A_19, %dot_general3A_5, %dot_general3A_23 {dimension_numbers = #tpu.dot_dimension_numbers<[1], [0], [0], [1], [0, 0, 1, 1], [], []>, transpose_lhs_hint = false} : vector<10000x128xf32>, vector<128x16xf32>, vector<10000x16xf32> -> vector<10000x16xf32>
    %add3A_25 = arith.addf %dot_general3A_24, %convert_element_type3A_22 : vector<10000x16xf32>
    %swap3A = arith.constant 0 : index
    %swap3A_26 = arith.constant 0 : index
    %swap3A_27 = vector.load %arg8[%swap3A, %swap3A_26] : memref<10000x16xf32, #tpu.memory_space<vmem>>, vector<10000x16xf32>
    tpu.vector_store %arg8[%swap3A, %swap3A_26], %add3A_25 {strides = array<i32>} : memref<10000x16xf32, #tpu.memory_space<vmem>>, vector<10000x16xf32>,
    %get3A_28 = arith.constant 0 : index
    %get3A_29 = arith.constant 0 : index
    %get3A_30 = vector.load %arg4[%get3A_28, %get3A_29] : memref<128x128xf32, #tpu.memory_space<vmem>>, vector<128x128xf32>
    %get3A_31 = arith.constant 0 : index
    %get3A_32 = arith.constant 0 : index
    %get3A_33 = vector.load %arg5[%get3A_31, %get3A_32] : memref<128x16xf32, #tpu.memory_space<vmem>>, vector<128x16xf32>
    %dot_general3A_34 = arith.constant dense<0.000000e+00> : vector<128x16xf32>
    %dot_general3A_35 = tpu.matmul %get3A_30, %get3A_33, %dot_general3A_34 {dimension_numbers = #tpu.dot_dimension_numbers<[1], [0], [0], [1], [0, 0, 1, 1], [], []>, transpose_lhs_hint = false} : vector<128x128xf32>, vector<128x16xf32>, vector<128x16xf32> -> vector<128x16xf32>
    %swap3A_36 = arith.constant 0 : index
    %swap3A_37 = arith.constant 0 : index
    %swap3A_38 = vector.load %arg9[%swap3A_36, %swap3A_37] : memref<128x16xf32, #tpu.memory_space<vmem>>, vector<128x16xf32>
    tpu.vector_store %arg9[%swap3A_36, %swap3A_37], %dot_general3A_35 {strides = array<i32>} : memref<128x16xf32, #tpu.memory_space<vmem>>, vector<128x16xf32>,
    %get3A_39 = arith.constant 0 : index
    %get3A_40 = arith.constant 0 : index
    %get3A_41 = vector.load %arg6[%get3A_39, %get3A_40] : memref<1x128xf32, #tpu.memory_space<vmem>>, vector<1x128xf32>
    %get3A_42 = arith.constant 0 : index
    %get3A_43 = arith.constant 0 : index
    %get3A_44 = vector.load %arg5[%get3A_42, %get3A_43] : memref<128x16xf32, #tpu.memory_space<vmem>>, vector<128x16xf32>
    %dot_general3A_45 = arith.constant dense<0.000000e+00> : vector<1x16xf32>
    %dot_general3A_46 = tpu.matmul %get3A_41, %get3A_44, %dot_general3A_45 {dimension_numbers = #tpu.dot_dimension_numbers<[1], [0], [0], [1], [0, 0, 1, 1], [], []>, transpose_lhs_hint = false} : vector<1x128xf32>, vector<128x16xf32>, vector<1x16xf32> -> vector<1x16xf32>
    %get3A_47 = arith.constant 0 : index
    %get3A_48 = arith.constant 0 : index
    %get3A_49 = vector.load %arg7[%get3A_47, %get3A_48] : memref<1x16xf32, #tpu.memory_space<vmem>>, vector<1x16xf32>
    %add3A_50 = arith.addf %dot_general3A_46, %get3A_49 : vector<1x16xf32>
    %swap3A_51 = arith.constant 0 : index
    %swap3A_52 = arith.constant 0 : index
    %swap3A_53 = vector.load %arg10[%swap3A_51, %swap3A_52] : memref<1x16xf32, #tpu.memory_space<vmem>>, vector<1x16xf32>
    tpu.vector_store %arg10[%swap3A_51, %swap3A_52], %add3A_50 {strides = array<i32>} : memref<1x16xf32, #tpu.memory_space<vmem>>, vector<1x16xf32>,
    return
  }
}

module attributes {stable_mosaic.version = 14 : i64} {
  func.func @_main_body(%arg0: i32, %arg1: memref<2000x101xf32, #tpu.memory_space<vmem>>, %arg2: memref<101x128xf32, #tpu.memory_space<vmem>>, %arg3: memref<1x128xf32, #tpu.memory_space<vmem>>, %arg4: memref<128x16xf32, #tpu.memory_space<vmem>>, %arg5: memref<1x16xf32, #tpu.memory_space<vmem>>, %arg6: memref<2x2000x16xf32, #tpu.memory_space<vmem>>, %arg7: memref<2000x2xf32, #tpu.memory_space<vmem>>) attributes {dimension_semantics = [#tpu.dimension_semantics<arbitrary>], iteration_bounds = array<i64: 50>, scalar_prefetch = 0 : i64, scratch_operands = 0 : i64, tpu.core_type = #tpu.core_type<tc>, window_params = [{transform_indices = @transform_0, window_bounds = array<i64: 2000, 101>}, {pipeline_mode = #tpu.pipeline_mode<synchronous>, transform_indices = @transform_1, window_bounds = array<i64: 101, 128>}, {pipeline_mode = #tpu.pipeline_mode<synchronous>, transform_indices = @transform_2, window_bounds = array<i64: 1, 128>}, {pipeline_mode = #tpu.pipeline_mode<synchronous>, transform_indices = @transform_3, window_bounds = array<i64: 128, 16>}, {pipeline_mode = #tpu.pipeline_mode<synchronous>, transform_indices = @transform_4, window_bounds = array<i64: 1, 16>}, {transform_indices = @transform_5, window_bounds = array<i64: 2, 2000, 16>}, {transform_indices = @transform_6, window_bounds = array<i64: 2000, 2>}]} {
    %get3A = arith.constant 0 : index
    %get3A_0 = arith.constant 0 : index
    %get3A_1 = vector.load %arg1[%get3A, %get3A_0] : memref<2000x101xf32, #tpu.memory_space<vmem>>, vector<2000x101xf32>
    %get3A_2 = arith.constant 0 : index
    %get3A_3 = arith.constant 0 : index
    %get3A_4 = vector.load %arg2[%get3A_2, %get3A_3] : memref<101x128xf32, #tpu.memory_space<vmem>>, vector<101x128xf32>
    %dot_general3A = arith.constant dense<0.000000e+00> : vector<2000x128xf32>
    %dot_general3A_5 = tpu.matmul %get3A_1, %get3A_4, %dot_general3A {dimension_numbers = #tpu.dot_dimension_numbers<[1], [0], [0], [1], [0, 0, 1, 1], [], []>, transpose_lhs_hint = false} : vector<2000x101xf32>, vector<101x128xf32>, vector<2000x128xf32> -> vector<2000x128xf32>
    %get3A_6 = arith.constant 0 : index
    %get3A_7 = arith.constant 0 : index
    %get3A_8 = vector.load %arg3[%get3A_6, %get3A_7] : memref<1x128xf32, #tpu.memory_space<vmem>>, vector<1x128xf32>
    %add3A = vector.broadcast %get3A_8 : vector<1x128xf32> to vector<2000x128xf32>
    %add3A_9 = arith.addf %dot_general3A_5, %add3A : vector<2000x128xf32>
    %max3A = arith.constant 0.000000e+00 : f32
    %max3A_10 = vector.broadcast %max3A : f32 to vector<2000x128xf32>
    %max3A_11 = arith.maximumf %add3A_9, %max3A_10 : vector<2000x128xf32>
    %get3A_12 = arith.constant 0 : index
    %get3A_13 = arith.constant 0 : index
    %get3A_14 = arith.constant 0 : index
    %get3A_15 = vector.load %arg6[%get3A_12, %get3A_13, %get3A_14] : memref<2x2000x16xf32, #tpu.memory_space<vmem>>, vector<1x2000x16xf32>
    %get3A_16 = vector.shape_cast %get3A_15 : vector<1x2000x16xf32> to vector<2000x16xf32>
    %get3A_17 = arith.constant 1 : index
    %get3A_18 = arith.constant 0 : index
    %get3A_19 = arith.constant 0 : index
    %get3A_20 = vector.load %arg6[%get3A_17, %get3A_18, %get3A_19] : memref<2x2000x16xf32, #tpu.memory_space<vmem>>, vector<1x2000x16xf32>
    %get3A_21 = vector.shape_cast %get3A_20 : vector<1x2000x16xf32> to vector<2000x16xf32>
    %add3A_22 = arith.addf %get3A_16, %get3A_21 : vector<2000x16xf32>
    %slice3A = vector.extract_strided_slice %add3A_22 {offsets = [0, 2], sizes = [2000, 1], strides = [1, 1]} : vector<2000x16xf32> to vector<2000x1xf32>
    %max3A_23 = arith.constant 1.000000e+00 : f32
    %max3A_24 = vector.broadcast %max3A_23 : f32 to vector<2000x1xf32>
    %max3A_25 = arith.maximumf %slice3A, %max3A_24 : vector<2000x1xf32>
    %div3A = vector.broadcast %max3A_25 : vector<2000x1xf32> to vector<2000x16xf32>
    %div3A_26 = arith.divf %add3A_22, %div3A : vector<2000x16xf32>
    %get3A_27 = arith.constant 0 : index
    %get3A_28 = arith.constant 0 : index
    %get3A_29 = vector.load %arg4[%get3A_27, %get3A_28] : memref<128x16xf32, #tpu.memory_space<vmem>>, vector<128x16xf32>
    %dot_general3A_30 = arith.constant dense<0.000000e+00> : vector<2000x16xf32>
    %dot_general3A_31 = tpu.matmul %max3A_11, %get3A_29, %dot_general3A_30 {dimension_numbers = #tpu.dot_dimension_numbers<[1], [0], [0], [1], [0, 0, 1, 1], [], []>, transpose_lhs_hint = false} : vector<2000x128xf32>, vector<128x16xf32>, vector<2000x16xf32> -> vector<2000x16xf32>
    %add3A_32 = arith.addf %div3A_26, %dot_general3A_31 : vector<2000x16xf32>
    %get3A_33 = arith.constant 0 : index
    %get3A_34 = arith.constant 0 : index
    %get3A_35 = vector.load %arg5[%get3A_33, %get3A_34] : memref<1x16xf32, #tpu.memory_space<vmem>>, vector<1x16xf32>
    %add3A_36 = vector.broadcast %get3A_35 : vector<1x16xf32> to vector<2000x16xf32>
    %add3A_37 = arith.addf %add3A_32, %add3A_36 : vector<2000x16xf32>
    %slice3A_38 = vector.extract_strided_slice %add3A_37 {offsets = [0, 0], sizes = [2000, 2], strides = [1, 1]} : vector<2000x16xf32> to vector<2000x2xf32>
    %swap3A = arith.constant 0 : index
    %swap3A_39 = arith.constant 0 : index
    %swap3A_40 = vector.load %arg7[%swap3A, %swap3A_39] : memref<2000x2xf32, #tpu.memory_space<vmem>>, vector<2000x2xf32>
    tpu.vector_store %arg7[%swap3A, %swap3A_39], %slice3A_38 {strides = array<i32>} : memref<2000x2xf32, #tpu.memory_space<vmem>>, vector<2000x2xf32>,
    return
  }
  func.func @transform_0(%arg0: i32) -> (i32, i32) {
    %c0_i32 = arith.constant 0 : i32
    %c0_i32_0 = arith.constant 0 : i32
    return %arg0, %c0_i32 : i32, i32
  }
  func.func @transform_1(%arg0: i32) -> (i32, i32) {
    %c0_i32 = arith.constant 0 : i32
    %c0_i32_0 = arith.constant 0 : i32
    %c0_i32_1 = arith.constant 0 : i32
    return %c0_i32, %c0_i32_0 : i32, i32
  }
  func.func @transform_2(%arg0: i32) -> (i32, i32) {
    %c0_i32 = arith.constant 0 : i32
    %c0_i32_0 = arith.constant 0 : i32
    %c0_i32_1 = arith.constant 0 : i32
    return %c0_i32, %c0_i32_0 : i32, i32
  }
  func.func @transform_3(%arg0: i32) -> (i32, i32) {
    %c0_i32 = arith.constant 0 : i32
    %c0_i32_0 = arith.constant 0 : i32
    %c0_i32_1 = arith.constant 0 : i32
    return %c0_i32, %c0_i32_0 : i32, i32
  }
  func.func @transform_4(%arg0: i32) -> (i32, i32) {
    %c0_i32 = arith.constant 0 : i32
    %c0_i32_0 = arith.constant 0 : i32
    %c0_i32_1 = arith.constant 0 : i32
    return %c0_i32, %c0_i32_0 : i32, i32
  }
  func.func @transform_5(%arg0: i32) -> (i32, i32, i32) {
    %c0_i32 = arith.constant 0 : i32
    %c0_i32_0 = arith.constant 0 : i32
    %c0_i32_1 = arith.constant 0 : i32
    return %c0_i32, %arg0, %c0_i32_0 : i32, i32, i32
  }
  func.func @transform_6(%arg0: i32) -> (i32, i32) {
    %c0_i32 = arith.constant 0 : i32
    %c0_i32_0 = arith.constant 0 : i32
    return %arg0, %c0_i32 : i32, i32
  }
}

</mosaic_0001>

<sc_bundles>
// kernel: kernel.5.cloned.1.call-start
scs
__scs_entry_jumppad:
0x0: {  	(pc) =	sbr.rel $0x88, $3  }
0x1: {  	(tag) =	ssettag $0x0;
	lr =	simm.s32 $0x1  }
0x2: {  	[smem:$0x3F94] =	sst lr;
	_ =	strace $0xD0000000  }
0x3: {  	_ = 	snop  }
0x4: {  	_ = 	snop  }
0x5: {  	_ = 	snop  }
0x6: {  	_ = 	snop  }
0x7: {  	_ = 	snop  }
__scs_overlays_trampoline_lowered:
0x8: {  	[smem:$0x3FA3] =	sst s0  }
0x9: {  	[smem:$0x3FA4] =	sst s1  }
0xa: {  	[smem:$0x3FA5] =	sst s2  }
0xb: {  	[smem:$0x3FA6] =	sst s3  }
0xc: {  	[smem:$0x3FA7] =	sst s4  }
0xd: {  	[smem:$0x3FA8] =	sst s5  }
0xe: {  	[smem:$0x3FA9] =	sst s6  }
0xf: {  	[smem:$0x3FAA] =	sst s7  }
0x10: {  	[smem:$0x3FAB] =	sst s8  }
0x11: {  	[smem:$0x3FAC] =	sst s9;
	s0 =	simm.s32 @!p0 $0x0  }
0x12: {  	s1 =	sld [smem:$0x3F92];
	s0 =	simm.s32 @p0 $0x1  }
0x13: {  	[smem:$0x3FAD] =	sst s0;
	s0 =	simm.s32 @!p1 $0x0  }
0x14: {  	s2 =	sld [smem:$0x3F91];
	s0 =	simm.s32 @p1 $0x1  }
0x15: {  	[smem:$0x3FAE] =	sst s0;
	s0 =	simm.s32 @!p2 $0x0  }
0x16: {  	s3 =	sld [smem:$0x3FDB];
	s0 =	simm.s32 @p2 $0x1  }
0x17: {  	s4 =	simm.s32 $0x1BF5;
	[smem:$0x3FB0] =	sst s0  }
0x18: {  	s0 =	sld [smem:$0x3F93];
	_ =	swait.ge [sflag:s4], $0x0  }
0x19: {  	s7 =	sld [smem:$0x3F94]  }
0x1a: {  	s8 =	sadd.s32 $0xFFFFE003, lr  }
0x1b: {  	s9 =	sadd.s32 $0xFFFFFEF7, lr;
	s5 =	simm.s32 $0xFFFFFFFF;
	p2 =	slt.u32 s8, $0xFFFFF086  }
0x1c: {  	p1 =	slt.u32 s9, $0xF7A;
	s5 =	simm.s32 @!p2 $0x0  }
0x1d: {  	s5 =	simm.s32 @p1 $0x1;
	p0 =	seq.s32 s7, s2  }
0x1e: {  	s7 =	smul.u32 @!p0 $0xF7A, s2;
	p2 =	seq.s32 @!p0 s5, $0x0  }
0x1f: {  	s9 =	smul.u32 $0xF7A, s1;
	s8 =	simm.s32 @!p0 $0x1BF5;
	p2 =	por !p2, p0  }
0x20: {  	[sflag:s8] =	ssyncset.s32 @!p0 $0xFFFFF086;
	s6 =	sadd.s32 @!p0 s3, s7;
	s7 =	simm.s32 @!p0 $0x108  }
0x21: {  	s3 =	sadd.s32 s3, s9;
	s6 =	sadd.s32 @!p0 $0x88, s6;
	s7 =	simm.s32 @p2 $0x1082  }
0x22: {  	[simem:s7], [sflag:s8] =	dma.local @!p0 [hbm:s6], $0xF7A  }
0x23: {  	s9 =	sor.u32 $0xD0000000, s2;
	s6 =	simm.s32 $0x108;
	_ =	swait.ge @!p0 [sflag:s8], $0x0  }
0x24: {  	s3 =	sadd.s32 $0x88, s3;
	s6 =	simm.s32 @!p1 $0x1082;
	[sflag:s4] =	ssyncset.s32 $0xFFFFF086  }
0x25: {  	[simem:s6], [sflag:s4] =	dma.local [hbm:s3], $0xF7A  }
0x26: {  	[smem:$0x3F94] =	sst s1;
	(tag) =	ssettag s2;
	_ =	strace s9  }
0x27: {  	s1 =	sld [smem:$0x3FA4]  }
0x28: {  	s2 =	sld [smem:$0x3FA5]  }
0x29: {  	s4 =	sld [smem:$0x3FA7]  }
0x2a: {  	p0 =	seq.s32 s5, $0x0;
	s5 =	sld [smem:$0x3FA8]  }
0x2b: {  	s6 =	sld [smem:$0x3FA9]  }
0x2c: {  	s7 =	sld [smem:$0x3FAA]  }
0x2d: {  	s3 =	simm.s32 $0x108;
	s8 =	sld [smem:$0x3FAB]  }
0x2e: {  	s3 =	simm.s32 @!p0 $0x1082;
	s9 =	sld [smem:$0x3FAC]  }
0x2f: {  	lr =	sadd.s32 s0, s3;
	s0 =	sld [smem:$0x3FA3]  }
0x30: {  	s3 =	sld [smem:$0x3FA6]  }
0x31: {  	[smem:$0x3FAF] =	sst s10  }
0x32: {  	s10 =	sld [smem:$0x3FAD];
	_ =	sdelay $0x3  }
0x33: {  	p0 =	seq.s32 s10, $0x1;
	s10 =	sld [smem:$0x3FAF];
	_ =	sdelay $0x3  }
0x34: {  	[smem:$0x3FAF] =	sst s10  }
0x35: {  	s10 =	sld [smem:$0x3FAE];
	_ =	sdelay $0x3  }
0x36: {  	p1 =	seq.s32 s10, $0x1;
	s10 =	sld [smem:$0x3FAF];
	_ =	sdelay $0x3  }
0x37: {  	[smem:$0x3FAF] =	sst s10  }
0x38: {  	s10 =	sld [smem:$0x3FB0]  }
0x39: {  	_ = 	snop;
	(pc) =	sbr.ind lr, $3  }
0x3a: {  	_ = 	snop  }
0x3b: {  	_ = 	snop  }
0x3c: {  	p2 =	seq.s32 s10, $0x1;
	s10 =	sld [smem:$0x3FAF]  }
0x3d: {  	_ =	shalt  }
0x3e: {  	_ =	shalt  }
0x3f: {  	_ =	shalt  }
0x40: {  	_ =	shalt  }
0x41: {  	_ =	shalt  }
0x42: {  	_ =	shalt  }
0x43: {  	_ =	shalt  }
0x44: {  	_ =	shalt  }
0x45: {  	_ =	shalt  }
0x46: {  	_ =	shalt  }
0x47: {  	_ =	shalt  }
0x48: {  	_ =	shalt  }
0x49: {  	_ =	shalt  }
0x4a: {  	_ =	shalt  }
0x4b: {  	_ =	shalt  }
0x4c: {  	_ =	shalt  }
0x4d: {  	_ =	shalt  }
0x4e: {  	_ =	shalt  }
0x4f: {  	_ =	shalt  }
0x50: {  	_ =	shalt  }
0x51: {  	_ =	shalt  }
0x52: {  	_ =	shalt  }
0x53: {  	_ =	shalt  }
0x54: {  	_ =	shalt  }
0x55: {  	_ =	shalt  }
0x56: {  	_ =	shalt  }
0x57: {  	_ =	shalt  }
0x58: {  	_ =	shalt  }
0x59: {  	_ =	shalt  }
0x5a: {  	_ =	shalt  }
0x5b: {  	_ =	shalt  }
0x5c: {  	_ =	shalt  }
0x5d: {  	_ =	shalt  }
0x5e: {  	_ =	shalt  }
0x5f: {  	_ =	shalt  }
0x60: {  	_ =	shalt  }
0x61: {  	_ =	shalt  }
0x62: {  	_ =	shalt  }
0x63: {  	_ =	shalt  }
0x64: {  	_ =	shalt  }
0x65: {  	_ =	shalt  }
0x66: {  	_ =	shalt  }
0x67: {  	_ =	shalt  }
0x68: {  	_ =	shalt  }
0x69: {  	_ =	shalt  }
0x6a: {  	_ =	shalt  }
0x6b: {  	_ =	shalt  }
0x6c: {  	_ =	shalt  }
0x6d: {  	_ =	shalt  }
0x6e: {  	_ =	shalt  }
0x6f: {  	_ =	shalt  }
0x70: {  	_ =	shalt  }
0x71: {  	_ =	shalt  }
0x72: {  	_ =	shalt  }
0x73: {  	_ =	shalt  }
0x74: {  	_ =	shalt  }
0x75: {  	_ =	shalt  }
0x76: {  	_ =	shalt  }
0x77: {  	_ =	shalt  }
0x78: {  	_ =	shalt  }
0x79: {  	_ =	shalt  }
0x7a: {  	_ =	shalt  }
0x7b: {  	_ =	shalt  }
0x7c: {  	_ =	shalt  }
0x7d: {  	_ =	shalt  }
0x7e: {  	_ =	shalt  }
0x7f: {  	_ =	shalt  }
0x80: {  	_ =	shalt  }
0x81: {  	_ =	shalt  }
0x82: {  	_ =	shalt  }
0x83: {  	_ =	shalt  }
0x84: {  	_ =	shalt  }
0x85: {  	_ =	shalt  }
0x86: {  	_ =	shalt  }
0x87: {  	_ =	shalt  }
.Lfunc_end0:
.L_simem_size_0:
called_computation_lowered:
.L_overlay_start_0:
0x88: {  	s2 =	sld [smem:$0x3FD9]  }
0x89: {  	s3 =	sld [smem:$0x3FFE];
	_ =	sdelay $0x1  }
0x8a: {  	s1 =	srdreg.scid  }
0x8b: {  	s0 =	sand.u32 $0x1, s1  }
0x8c: {  	s17 =	sshll.u32 s0, $0xA;
	s2 =	sadd.s32 s3, s2  }
0x8d: {  	s2 =	sadd.s32 s2, s17  }
0x8e: {  	[smem:$0x3FBB] =	sst s2  }
0x8f: {  	_ = 	snop  }
0x90: {  	s2 =	sld [smem:$0x3FD0];
	(tm) =	ssettm $0x1  }
0x91: {  	s18 =	sld [smem:$0x3FFB];
	_ =	sdelay $0x3  }
0x92: {  	_ =	strace s18  }
0x93: {  	s3 =	sld [smem:$0x3FFC];
	_ =	sdelay $0x3  }
0x94: {  	_ =	strace s3  }
0x95: {  	s3 =	sld [smem:$0x3FFD];
	_ =	sdelay $0x3  }
0x96: {  	_ =	strace s3  }
0x97: {  	_ =	strace $0x8FFFFFFF  }
0x98: {  	s19 =	sld [smem:$0x3FDB];
	_ =	sdelay $0x1  }
0x99: {  	s4 =	simm.s32 $_scs_section_size  }
0x9a: {  	s5 =	simm.s32 $_size__tile_overlayer_lowered;
	s6 =	simm.s32 $_tile_overlayer_lowered  }
0x9b: {  	s22 =	simm.s32 $0x1BFF;
	s21 =	sshll.u32 s6, $0x1;
	s3 =	sadd.s32 s4, s19  }
0x9c: {  	s7 =	simm.s32 $0x0;
	s20 =	sshll.u32 s5, $0x1;
	s5 =	sadd.s32 s21, s3  }
0x9d: {  	[timem:s7], [sflag:s22] =	dma.local [hbm:s5], s20  }
0x9e: {  	_ =	swait.ge [sflag:s22], s20  }
0x9f: {  	s4 =	ssub.s32 $0x0, s20;
	[sflag:s22] =	ssyncset.done $0x0  }
0xa0: {  	[sflag:s22] =	ssyncadd.s32 s4;
	_ =	sdelay $0x1  }
0xa1: {  	s23 =	simm.s32 $0x1B8B  }
0xa2: {  	_ =	swait.ge [sflag:s23], $0x1  }
0xa3: {  	[sflag:s23] =	ssyncset.done $0x0  }
0xa4: {  	s25 =	simm.s32 $0x1B8E;
	s24 =	sld [smem:$0x3FFE];
	[sflag:s23] =	ssyncadd.s32 $0xFFFFFFFF  }
0xa5: {  	s26 =	simm.s32 $execute0_lowered;
	[smem:$0x3FD2] =	sst s25  }
0xa6: {  	s5 =	sshll.u32 s26, $0x1;
	_ =	strace $0x80000046;
	[dreg:$0x1] =	wrdreg $0xFFFFFFFF  }
0xa7: {  	s28 =	simm.s32 $_size_execute0_lowered;
	s3 =	sadd.s32 s3, s5;
	[dreg:$0x0] =	wrdreg $0x0  }
0xa8: {  	s5 =	sshll.u32 s28, $0x1;
	[dreg:$0x2] =	wrdreg s3  }
0xa9: {  	[dreg:$0x3] =	wrdreg s5  }
0xaa: {  	[dreg:$0x4] =	wrdreg $0xC0  }
0xab: {  	_ =	task [dreg:s7], $0x5FFFF  }
0xac: {  	[dreg:$0x1] =	wrdreg $0xFFFFFFFF  }
0xad: {  	[dreg:$0x0] =	wrdreg $0x60  }
0xae: {  	[dreg:$0x2] =	wrdreg s2  }
0xaf: {  	[dreg:$0x3] =	wrdreg s24  }
0xb0: {  	[dreg:$0x4] =	wrdreg $0x2F700  }
0xb1: {  	[dreg:$0x5] =	wrdreg $0x9  }
0xb2: {  	_ =	task.clear_ibuf [dreg:s7], $0x6FFFF;
	_ =	strace $0x90000046  }
0xb3: {  	s29 =	simm.s32 $0x9;
	_ =	strace $0x80000048  }
0xb4: {  	_ =	swait.ge [sflag:s29], $0x1  }
0xb5: {  	[sflag:s29] =	ssyncadd.s32 $0xFFFFFFFF  }
0xb6: {  	_ =	strace $0x90000048  }
0xb7: {  	_ =	sfence  }
0xb8: {  	s30 =	sld [smem:$0x0];
	_ =	sdelay $0x2  }
0xb9: {  	s31 =	sshll.u32 s1, $0xD;
	s1 =	sshrl.u32 s1, $0x2  }
0xba: {  	s3 =	sand.u32 $0x4000, s31;
	s1 =	sadd.s32 s1, s30  }
0xbb: {  	s0 =	sor.u32 s3, s0;
	s1 =	sshll.u32 s1, $0x11  }
0xbc: {  	s0 =	sor.u32 s1, s0  }
0xbd: {  	s0 =	sadd.s32 $0x8F2B, s0  }
0xbe: {  	[sflag:s0] =	ssyncadd.remote.s32 $0x1  }
0xbf: {  	_ =	sfence.sel $0xFFFF  }
0xc0: {  	[dreg:$0x0] =	wrdreg $0xFFFFFFFF;
	(pc) =	sbr.abs _section_cstart, $3  }
0xc1: {  	[dreg:$0x1] =	wrdreg $0xFFFFFFFF  }
0xc2: {  	_ =	task.clear_ibuf [dreg:s7], $0x2FFFF;
	_ =	strace $0x9FFFFFFF  }
0xc3: {  	(tm) =	ssettm $0x7FFFFFFF  }
tec
execute0_lowered:
.L_overlay_start_1:
0x0: {  	(tag) =	ssettag $0x1  }
0x1: {  	s1 =	rddreg [dreg:$0x0]  }
0x2: {  	s0 =	srdreg.scid;
	s2 =	rddreg [dreg:$0x1]  }
0x3: {  	s9 =	stileid.u32;
	s3 =	rddreg [dreg:$0x2]  }
0x4: {  	s28 =	simm.s32 $0x2;
	s29 =	simm.s32 $0x780;
	s30 =	simm.s32 $0x80  }
0x5: {  	s31 =	simm.s32 $0xF00;
	s0 =	sand.u32 $0x1, s0;
	s8 =	smul.u32 $0x61C00, s9  }
0x6: {  	s4 =	sshll.u32 s0, $0x4;
	s6 =	smul.u32 $0x30E00, s0;
	s0 =	ssub.s32 $0x2, s0  }
0x7: {  	s5 =	sor.u32 s9, s4;
	s4 =	simm.s32 $0x0;
	s10 =	sshrl.u32 s0, $0x1  }
0x8: {  	s9 =	smul.u32 $0x18700, s9;
	s11 =	sshrl.u32 s8, $0x2;
	[smem:$0x7FF] =	sst s4  }
0x9: {  	s5 =	smul.u32 $0x960, s5;
	s0 =	ssub.s32 s0, s10;
	_ =	strace $0x80000047  }
0xa: {  	s12 =	sshrl.u32 s9, $0x3;
	s9 =	sadd.s32 s9, s3;
	s0 =	smax.u32 s0, $0x1  }
0xb: {  	s7 =	sadd.s32 s5, s2;
	s2 =	sadd.s32 s6, s2;
	[dreg:$0x4] =	wrdreg s0  }
0xc: {  	s5 =	sadd.s32 $0x1800, s7;
	s6 =	sadd.s32 $0x14400, s7;
	s7 =	sadd.s32 s11, s3  }
0xd: {  	s2 =	sadd.s32 $0x27000, s2;
	s23 =	sadd.s32 $0x1870, s7;
	s24 =	sadd.s32 $0x30E0, s7  }
0xe: {  	s25 =	sadd.s32 $0x4950, s7;
	s26 =	sadd.s32 $0x61C0, s7;
	s13 =	sadd.s32 $0x7A30, s7  }
0xf: {  	s14 =	sadd.s32 $0x92A0, s7;
	s15 =	sadd.s32 $0xAB10, s7;
	s16 =	sadd.s32 $0xC380, s7  }
0x10: {  	s17 =	sadd.s32 $0xDBF0, s7;
	s18 =	sadd.s32 $0xF460, s7;
	[dreg:$0x5] =	wrdreg s23  }
0x11: {  	s19 =	sadd.s32 $0x10CD0, s7;
	s20 =	sadd.s32 $0x12540, s7;
	[dreg:$0x6] =	wrdreg s24  }
0x12: {  	s21 =	sadd.s32 $0x13DB0, s7;
	s22 =	sadd.s32 $0x15620, s7;
	[dreg:$0x7] =	wrdreg s25  }
0x13: {  	[dreg:$0x8] =	wrdreg s26;
	s23 =	sadd.s32 s12, s2;
	s24 =	sadd.s32 $0x16E90, s7  }
0x14: {  	v0 =	vimm.f32 $0.0e+00;
	s25 =	sshrl.u32 s9, $0x3;
	s26 =	simm.s32 $0x1700;
	s2 =	simm.s32 $0x1  }
.LBB2_1:
0x15: {  	s0 =	simm.s32 $0x40;
	s8 =	simm.s32 $0x0  }
.LBB2_2:
0x16: {  	p0 =	sne.s32 s0, $0x6180;
	[tilespmem:s8+$0x1700] =	vst v0;
	s8 =	smov.u32 s0;
	s0 =	sadd.s32 $0x40, s0  }
.Ltmp0:
0x17: {  	(pc) =	sbr.rel @p0 .LBB2_2-.Ltmp0, $2  }
0x18: {  	_ =	sdelay $0x2  }
0x19: {  	s8 =	sshra.s32 s8, $0x2  }
0x1a: {  	[tilespmem:s8+$0x1700] =	vst v0  }
0x1b: {  	[spmem:s7] =	stream.linear.scatter [tilespmem:s26], [sflag:$0x2], $0x1870, $0x38;
	[tilespmem:$0x1B670] =	vst v63  }
0x1c: {  	_ =	swait.ge [sflag:s28], $0x1870  }
0x1d: {  	[sflag:s28] =	ssyncset.done $0x0  }
0x1e: {  	s0 =	rddreg [dreg:$0x5];
	[sflag:s28] =	ssyncadd.s32 $0xFFFFE790  }
0x1f: {  	[spmem:s0] =	stream.linear.scatter [tilespmem:s26], [sflag:$0x2], $0x1870, $0x38;
	[tilespmem:$0x1B670] =	vst v63  }
0x20: {  	_ =	swait.ge [sflag:s28], $0x1870  }
0x21: {  	[sflag:s28] =	ssyncset.done $0x0  }
0x22: {  	s10 =	rddreg [dreg:$0x6];
	[sflag:s28] =	ssyncadd.s32 $0xFFFFE790  }
0x23: {  	[spmem:s10] =	stream.linear.scatter [tilespmem:s26], [sflag:$0x2], $0x1870, $0x38;
	[tilespmem:$0x1B670] =	vst v63  }
0x24: {  	_ =	swait.ge [sflag:s28], $0x1870  }
0x25: {  	[sflag:s28] =	ssyncset.done $0x0  }
0x26: {  	s11 =	rddreg [dreg:$0x7];
	[sflag:s28] =	ssyncadd.s32 $0xFFFFE790  }
0x27: {  	[spmem:s11] =	stream.linear.scatter [tilespmem:s26], [sflag:$0x2], $0x1870, $0x38;
	[tilespmem:$0x1B670] =	vst v63  }
0x28: {  	_ =	swait.ge [sflag:s28], $0x1870  }
0x29: {  	[sflag:s28] =	ssyncset.done $0x0  }
0x2a: {  	s12 =	rddreg [dreg:$0x8];
	[sflag:s28] =	ssyncadd.s32 $0xFFFFE790  }
0x2b: {  	[spmem:s12] =	stream.linear.scatter [tilespmem:s26], [sflag:$0x2], $0x1870, $0x38;
	[tilespmem:$0x1B670] =	vst v63  }
0x2c: {  	_ =	swait.ge [sflag:s28], $0x1870  }
0x2d: {  	[sflag:s28] =	ssyncset.done $0x0  }
0x2e: {  	[sflag:s28] =	ssyncadd.s32 $0xFFFFE790  }
0x2f: {  	[spmem:s13] =	stream.linear.scatter [tilespmem:s26], [sflag:$0x2], $0x1870, $0x38;
	[tilespmem:$0x1B670] =	vst v63  }
0x30: {  	_ =	swait.ge [sflag:s28], $0x1870  }
0x31: {  	[sflag:s28] =	ssyncset.done $0x0  }
0x32: {  	[sflag:s28] =	ssyncadd.s32 $0xFFFFE790  }
0x33: {  	[spmem:s14] =	stream.linear.scatter [tilespmem:s26], [sflag:$0x2], $0x1870, $0x38;
	[tilespmem:$0x1B670] =	vst v63  }
0x34: {  	_ =	swait.ge [sflag:s28], $0x1870  }
0x35: {  	[sflag:s28] =	ssyncset.done $0x0  }
0x36: {  	[sflag:s28] =	ssyncadd.s32 $0xFFFFE790  }
0x37: {  	[spmem:s15] =	stream.linear.scatter [tilespmem:s26], [sflag:$0x2], $0x1870, $0x38;
	[tilespmem:$0x1B670] =	vst v63  }
0x38: {  	_ =	swait.ge [sflag:s28], $0x1870  }
0x39: {  	[sflag:s28] =	ssyncset.done $0x0  }
0x3a: {  	[sflag:s28] =	ssyncadd.s32 $0xFFFFE790  }
0x3b: {  	[spmem:s16] =	stream.linear.scatter [tilespmem:s26], [sflag:$0x2], $0x1870, $0x38;
	[tilespmem:$0x1B670] =	vst v63  }
0x3c: {  	_ =	swait.ge [sflag:s28], $0x1870  }
0x3d: {  	[sflag:s28] =	ssyncset.done $0x0  }
0x3e: {  	[sflag:s28] =	ssyncadd.s32 $0xFFFFE790  }
0x3f: {  	[spmem:s17] =	stream.linear.scatter [tilespmem:s26], [sflag:$0x2], $0x1870, $0x38;
	[tilespmem:$0x1B670] =	vst v63  }
0x40: {  	_ =	swait.ge [sflag:s28], $0x1870  }
0x41: {  	[sflag:s28] =	ssyncset.done $0x0  }
0x42: {  	[sflag:s28] =	ssyncadd.s32 $0xFFFFE790  }
0x43: {  	[spmem:s18] =	stream.linear.scatter [tilespmem:s26], [sflag:$0x2], $0x1870, $0x38;
	[tilespmem:$0x1B670] =	vst v63  }
0x44: {  	_ =	swait.ge [sflag:s28], $0x1870  }
0x45: {  	[sflag:s28] =	ssyncset.done $0x0  }
0x46: {  	[sflag:s28] =	ssyncadd.s32 $0xFFFFE790  }
0x47: {  	[spmem:s19] =	stream.linear.scatter [tilespmem:s26], [sflag:$0x2], $0x1870, $0x38;
	[tilespmem:$0x1B670] =	vst v63  }
0x48: {  	_ =	swait.ge [sflag:s28], $0x1870  }
0x49: {  	[sflag:s28] =	ssyncset.done $0x0  }
0x4a: {  	[sflag:s28] =	ssyncadd.s32 $0xFFFFE790  }
0x4b: {  	[spmem:s20] =	stream.linear.scatter [tilespmem:s26], [sflag:$0x2], $0x1870, $0x38;
	[tilespmem:$0x1B670] =	vst v63  }
0x4c: {  	_ =	swait.ge [sflag:s28], $0x1870  }
0x4d: {  	[sflag:s28] =	ssyncset.done $0x0  }
0x4e: {  	[sflag:s28] =	ssyncadd.s32 $0xFFFFE790  }
0x4f: {  	[spmem:s21] =	stream.linear.scatter [tilespmem:s26], [sflag:$0x2], $0x1870, $0x38;
	[tilespmem:$0x1B670] =	vst v63  }
0x50: {  	_ =	swait.ge [sflag:s28], $0x1870  }
0x51: {  	[sflag:s28] =	ssyncset.done $0x0  }
0x52: {  	[sflag:s28] =	ssyncadd.s32 $0xFFFFE790  }
0x53: {  	[spmem:s22] =	stream.linear.scatter [tilespmem:s26], [sflag:$0x2], $0x1870, $0x38;
	[tilespmem:$0x1B670] =	vst v63  }
0x54: {  	_ =	swait.ge [sflag:s28], $0x1870  }
0x55: {  	[sflag:s28] =	ssyncset.done $0x0  }
0x56: {  	[sflag:s28] =	ssyncadd.s32 $0xFFFFE790  }
0x57: {  	[spmem:s24] =	stream.linear.scatter [tilespmem:s26], [sflag:$0x2], $0x1870, $0x38;
	[tilespmem:$0x1B670] =	vst v63  }
0x58: {  	_ =	swait.ge [sflag:s28], $0x1870  }
0x59: {  	[sflag:s28] =	ssyncset.done $0x0  }
0x5a: {  	[sflag:s28] =	ssyncadd.s32 $0xFFFFE790  }
0x5b: {  	s8 =	simm.s32 $0x0;
	s0 =	simm.s32 $0x0;
	[bflag:$0x0] =	sbarrier.arrive $0xFFFF  }
.LBB2_4:
0x5c: {  	s9 =	smul.u32 $0xF0, s8;
	_ =	sdelay $0x1  }
0x5d: {  	s10 =	sadd.s32 s9, s5  }
0x5e: {  	[tilespmem:s0], [sflag:$0x2] =	stream.linear.gather [hbm4b:s10+s0], $0x780, $0x38;
	[tilespmem:$0x1B670] =	vst v63  }
0x5f: {  	_ =	swait.ge [sflag:s28], $0x780  }
0x60: {  	[sflag:s28] =	ssyncset.done $0x0  }
0x61: {  	s9 =	sadd.s32 s9, s6;
	[sflag:s28] =	ssyncadd.s32 $0xFFFFF880  }
0x62: {  	[tilespmem:s29], [sflag:$0x2] =	stream.linear.gather [hbm4b:s9+s0], $0x780, $0x38;
	[tilespmem:$0x1B670] =	vst v63  }
0x63: {  	_ =	swait.ge [sflag:s28], $0x780  }
0x64: {  	[sflag:s28] =	ssyncset.done $0x0  }
0x65: {  	s11 =	simm.s32 $0x0;
	[sflag:s28] =	ssyncadd.s32 $0xFFFFF880  }
0x66: {  	[tilespmem:s31], [sflag:$0x1] =	stream.indirect.gather [hbm4b:s1+s30], $0x10, s11, s30, $0xb8;
	[tilespmem:$0x1B670] =	vst v63  }
0x67: {  	_ =	swait.ge [sflag:s2], $0x800  }
0x68: {  	[sflag:s2] =	ssyncset.done $0x0  }
0x69: {  	s12 =	simm.s32 $0x780;
	[sflag:s2] =	ssyncadd.s32 $0xFFFFF800  }
0x6a: {  	[spmem:s3] =	stream.indirect.scatter.add.f32 [tilespmem:s31], [sflag:$0x2], $0x10, s12, s30, $0xb8;
	[tilespmem:$0x1B670] =	vst v63  }
0x6b: {  	_ =	swait.ge [sflag:s28], $0x800  }
0x6c: {  	s10 =	simm.s32 $0x400;
	s9 =	simm.s32 $0x200;
	[sflag:s28] =	ssyncset.done $0x0  }
.LBB2_5:
0x6d: {  	s11 =	sshra.s32 s9, $0x2  }
0x6e: {  	[sflag:s28] =	ssyncadd.s32 $0xFFFFF800;
	s9 =	smov.u32 s10;
	s12 =	sadd.s32 $0x200, s10  }
0x6f: {  	[tilespmem:s31], [sflag:$0x1] =	stream.indirect.gather [hbm4b:s1+s30], $0x10, s11, s30, $0xb8;
	[tilespmem:$0x1B670] =	vst v63  }
0x70: {  	p0 =	sne.s32 s10, $0x1C00;
	_ =	swait.ge [sflag:s2], $0x800  }
.Ltmp1:
0x71: {  	[sflag:s2] =	ssyncset.done $0x0;
	(pc) =	sbr.rel @p0 .LBB2_5-.Ltmp1, $4  }
0x72: {  	s10 =	sadd.s32 $0x780, s11;
	[sflag:s2] =	ssyncadd.s32 $0xFFFFF800  }
0x73: {  	[spmem:s3] =	stream.indirect.scatter.add.f32 [tilespmem:s31], [sflag:$0x2], $0x10, s10, s30, $0xb8;
	[tilespmem:$0x1B670] =	vst v63  }
0x74: {  	_ =	swait.ge [sflag:s28], $0x800  }
0x75: {  	s10 =	smov.u32 s12;
	[sflag:s28] =	ssyncset.done $0x0  }
0x76: {  	s9 =	sshra.s32 s9, $0x2;
	[sflag:s28] =	ssyncadd.s32 $0xFFFFF800  }
0x77: {  	[tilespmem:s31], [sflag:$0x1] =	stream.indirect.gather [hbm4b:s1+s30], $0x10, s9, s30, $0xb8;
	[tilespmem:$0x1B670] =	vst v63  }
0x78: {  	s8 =	sadd.s32 $0x1, s8;
	_ =	swait.ge [sflag:s2], $0x800  }
0x79: {  	p0 =	sne.s32 s8, $0xA;
	[sflag:s2] =	ssyncset.done $0x0  }
.Ltmp2:
0x7a: {  	s9 =	sadd.s32 $0x780, s9;
	[sflag:s2] =	ssyncadd.s32 $0xFFFFF800;
	(pc) =	sbr.rel @p0 .LBB2_4-.Ltmp2, $4  }
0x7b: {  	[spmem:s3] =	stream.indirect.scatter.add.f32 [tilespmem:s31], [sflag:$0x2], $0x10, s9, s30, $0xb8;
	[tilespmem:$0x1B670] =	vst v63  }
0x7c: {  	_ =	swait.ge [sflag:s28], $0x800  }
0x7d: {  	[sflag:s28] =	ssyncset.done $0x0  }
0x7e: {  	[sflag:s28] =	ssyncadd.s32 $0xFFFFF800  }
0x7f: {  	s0 =	stileid.u32  }
0x80: {  	s0 =	sshll.u32 s0, $0x6  }
0x81: {  	[bflag:$0x0] =	sbarrier.arrive $0xFFFF;
	s0 =	sor.u32 $0x1C02, s0  }
0x82: {  	[hbm:s23], [sflag:s0] =	dma.local [spmem:s25], $0x30E0  }
0x83: {  	_ =	swait.ge [sflag:s28], $0x30E0  }
0x84: {  	s4 =	sadd.s32 $0x1, s4;
	s12 =	rddreg [dreg:$0x4]  }
0x85: {  	p0 =	sne.s32 s4, s12  }
.Ltmp3:
0x86: {  	_ = 	snop;
	(pc) =	sbr.rel @p0 .LBB2_1-.Ltmp3, $3  }
0x87: {  	_ =	sdelay $0x1  }
0x88: {  	[sflag:s28] =	ssyncset.done $0x0  }
0x89: {  	[sflag:s28] =	ssyncadd.s32 $0xFFFFCF20  }
0x8a: {  	_ =	sfence.sel $0x180000  }
0x8b: {  	[bflag:$0x0] =	sbarrier.arrive $0xFFFF  }
0x8c: {  	_ =	strace $0x90000047  }
0x8d: {  	s0 =	stileid.u32;
	[bflag:$0x2] =	sbarrier.arrive $0xFFFF  }
0x8e: {  	p0 =	sne.s32 s0, $0x0;
	s0 =	rddreg [dreg:$0x3]  }
0x8f: {  	s0 =	sadd.s32 @!p0 $0x100000, s0  }
0x90: {  	[sflag:s0] =	ssyncadd.tile.s32 @!p0 $0x1;
	_ =	shalt  }
.Lfunc_end2:
_tile_overlayer_lowered:
.L_overlay_start_2:
0x91: {  	(tag) =	ssettag $0x2  }
0x92: {  	s0 =	rddreg [dreg:$0x0];
	s2 =	stileid.u32  }
0x93: {  	s1 =	rddreg [dreg:$0x1];
	p0 =	sne.s32 s2, $0x0  }
0x94: {  	s3 =	rddreg [dreg:$0x2];
	[bflag:$0x3] =	sbarrier.arrive $0xFFFF;
	s2 =	simm.s32 @!p0 $0x1C02  }
0x95: {  	[timem:s3], [sflag:s2] =	dma.local @!p0 [hbm:s0], s1  }
0x96: {  	s0 =	simm.s32 @!p0 $0x2  }
0x97: {  	_ =	swait.ge @!p0 [sflag:s0], s1  }
0x98: {  	s1 =	ssub.s32 @!p0 $0x0, s1;
	[sflag:s0] =	ssyncset.done @!p0 $0x0  }
0x99: {  	[sflag:s0] =	ssyncadd.s32 @!p0 s1  }
0x9a: {  	[bflag:$0x3] =	sbarrier.arrive $0xFFFF  }
0x9b: {  	_ =	shalt  }

</sc_bundles>
